<compile_context>
chip_gen: v7x
topology: tpu7x:2x2x1
jax: 0.10.2.dev20260603
libtpu: 0.0.44.dev20260713+nightly
codegen_flags: <defaults>
</compile_context>

<pallas_src>
import dataclasses
import functools

import jax
import jax.numpy as jnp
from jax import lax
from jax.experimental import pallas as pl
from jax.experimental.pallas import tpu as pltpu
from jax.experimental.pallas import tpu_sc as plsc

N = 10000
E = 320000
R = 8
D = 128

NC, NS, L = 2, 16, 16
NW = NC * NS
NP = 10240
EW = 10240
EP = EW * NW
PAD = EP - E
EB = 128
CHUNK = 1024
NBLKC = CHUNK // EB
NCHUNK = EW // CHUNK
CR = 10112
C8 = CR * 8
STRIPE = NP // NS
BM = 256

_mesh = plsc.VectorSubcoreMesh(core_axis_name="c", subcore_axis_name="s")

_sc_params = pltpu.CompilerParams()
if "needs_layout_passes" in pltpu.CompilerParams.__dataclass_fields__:
    _sc_params = dataclasses.replace(_sc_params, needs_layout_passes=False)


def _counts_body(dst_hbm, et_hbm, out_hbm, cnt, dstc, etc):
    w = lax.axis_index("c") * NS + lax.axis_index("s")
    base = w * EW
    zeros = jnp.zeros((L,), jnp.float32)

    @pl.loop(0, C8 // L)
    def _(i):
        cnt[pl.ds(i * L, L)] = zeros

    ones = jnp.ones((L,), jnp.float32)

    @pl.loop(0, NCHUNK)
    def _(ch):
        pltpu.sync_copy(dst_hbm.at[pl.ds(base + ch * CHUNK, CHUNK)], dstc)
        pltpu.sync_copy(et_hbm.at[pl.ds(base + ch * CHUNK, CHUNK)], etc)

        @pl.loop(0, CHUNK // L)
        def _(j):
            d16 = dstc[pl.ds(j * L, L)]
            t16 = etc[pl.ds(j * L, L)]
            plsc.addupdate_scatter(cnt, [d16 * 8 + t16], ones)

    pltpu.sync_copy(cnt, out_hbm.at[w])


@jax.jit
def _sc_counts(dstp, etp):
    return pl.kernel(
        _counts_body,
        out_type=jax.ShapeDtypeStruct((NW, C8), jnp.float32),
        mesh=_mesh,
        compiler_params=_sc_params,
        scratch_types=[
            pltpu.VMEM((C8,), jnp.float32),
            pltpu.VMEM((CHUNK,), jnp.int32),
            pltpu.VMEM((CHUNK,), jnp.int32),
        ],
    )(dstp, etp)


def _msg_body(hf_hbm, src_hbm, dst_hbm, et_hbm, inv_hbm, out_hbm,
              acc, zb, srcc, etc, dstc, gidx0, gidx1, fb0, fb1, wb0, wb1,
              gs0, gs1, ws0, ws1, ss0, ss1):
    cid = lax.axis_index("c")
    sid = lax.axis_index("s")
    w = cid * NS + sid
    base = w * EW
    brow = w * (EW // EB)

    zeros = jnp.zeros((L,), jnp.float32)

    @pl.loop(0, 64)
    def _(i):
        for c in range(D // L):
            zb[i, pl.ds(c * L, L)] = zeros

    @pl.loop(0, STRIPE // 64)
    def _(k):
        pltpu.sync_copy(zb, acc.at[pl.ds(sid * STRIPE + k * 64, 64)])

    plsc.subcore_barrier()

    gbufs = (gidx0, gidx1)
    fbufs = (fb0, fb1)
    wbufs = (wb0, wb1)
    gsems = (gs0, gs1)
    wsems = (ws0, ws1)
    ssems = (ss0, ss1)

    def compute_idx(b, par):
        for j in range(EB // L):
            s16 = srcc[pl.ds(b * EB + j * L, L)]
            t16 = etc[pl.ds(b * EB + j * L, L)]
            d16 = dstc[b, pl.ds(j * L, L)]
            gbufs[par][pl.ds(j * L, L)] = s16 * (R + 1) + t16
            fbufs[par][pl.ds(j * L, L)] = d16 * 8 + t16

    def scale(msg, par):
        @plsc.parallel_loop(0, EB, unroll=4)
        def _(j):
            wv = plsc.load_gather(wbufs[par], [jnp.full((L,), j, jnp.int32)])
            for c in range(D // L):
                msg[j, pl.ds(c * L, L)] = msg[j, pl.ds(c * L, L)] * wv

    def run(msg0, msg1):
        msgs = (msg0, msg1)

        @pl.loop(0, NCHUNK)
        def _(ch):
            pltpu.sync_copy(src_hbm.at[pl.ds(base + ch * CHUNK, CHUNK)], srcc)
            pltpu.sync_copy(et_hbm.at[pl.ds(base + ch * CHUNK, CHUNK)], etc)
            pltpu.sync_copy(dst_hbm.at[pl.ds(brow + ch * NBLKC, NBLKC)], dstc)

            gd = [None, None]
            wd = [None, None]
            sd = [None, None]

            def start(b):
                par = b % 2
                if sd[par] is not None:
                    sd[par].wait()
                compute_idx(b, par)
                gd[par] = pltpu.async_copy(hf_hbm.at[gbufs[par]], msgs[par],
                                           gsems[par])
                wd[par] = pltpu.async_copy(inv_hbm.at[fbufs[par]], wbufs[par],
                                           wsems[par])

            def finish(b):
                par = b % 2
                gd[par].wait()
                wd[par].wait()
                scale(msgs[par], par)
                sd[par] = pltpu.async_copy(msgs[par], acc.at[dstc.at[b]],
                                           ssems[par], add=True)

            start(0)
            for b in range(1, NBLKC):
                start(b)
                finish(b - 1)
            finish(NBLKC - 1)
            sd[0].wait()
            sd[1].wait()

        plsc.subcore_barrier()
        pltpu.sync_copy(acc.at[pl.ds(sid * STRIPE, STRIPE)],
                        out_hbm.at[pl.ds(cid * NP + sid * STRIPE, STRIPE)])

    pl.run_scoped(run,
                  pltpu.VMEM((EB, D), jnp.float32),
                  pltpu.VMEM((EB, D), jnp.float32))


@jax.jit
def _sc_msg(hf, srcp, dst2, etp, inv2):
    return pl.kernel(
        _msg_body,
        out_type=jax.ShapeDtypeStruct((NC * NP, D), jnp.float32),
        mesh=_mesh,
        compiler_params=_sc_params,
        name="msg",
        scratch_types=[
            pltpu.VMEM_SHARED((NP, D), jnp.float32),
            pltpu.VMEM((64, D), jnp.float32),
            pltpu.VMEM((CHUNK,), jnp.int32),
            pltpu.VMEM((CHUNK,), jnp.int32),
            pltpu.VMEM((NBLKC, EB), jnp.int32),
            pltpu.VMEM((EB,), jnp.int32),
            pltpu.VMEM((EB,), jnp.int32),
            pltpu.VMEM((EB,), jnp.int32),
            pltpu.VMEM((EB,), jnp.int32),
            pltpu.VMEM((EB,), jnp.float32),
            pltpu.VMEM((EB,), jnp.float32),
            pltpu.SemaphoreType.DMA,
            pltpu.SemaphoreType.DMA,
            pltpu.SemaphoreType.DMA,
            pltpu.SemaphoreType.DMA,
            pltpu.SemaphoreType.DMA,
            pltpu.SemaphoreType.DMA,
        ],
    )(hf, srcp, dst2, etp, inv2)


def _dot(a, b):
    return lax.dot_general(a, b, (((1,), (0,)), ((), ())),
                           precision=lax.Precision.HIGHEST,
                           preferred_element_type=jnp.float32)


def _dense_body(x_ref, wcat_ref, b_ref, hb_ref, out0_ref):
    big = _dot(x_ref[...], wcat_ref[...])
    hb_ref[...] = big.reshape(BM, R + 1, D)
    out0_ref[...] = big[:, R * D:] + b_ref[...]


@jax.jit
def _tc_dense(xp, Wcat, b2d):
    return pl.pallas_call(
        _dense_body,
        grid=(NP // BM,),
        in_specs=[
            pl.BlockSpec((BM, D), lambda i: (i, 0)),
            pl.BlockSpec((D, (R + 1) * D), lambda i: (0, 0)),
            pl.BlockSpec((1, D), lambda i: (0, 0)),
        ],
        out_specs=[
            pl.BlockSpec((BM, R + 1, D), lambda i: (i, 0, 0)),
            pl.BlockSpec((BM, D), lambda i: (i, 0)),
        ],
        out_shape=[
            jax.ShapeDtypeStruct((NP, R + 1, D), jnp.float32),
            jax.ShapeDtypeStruct((NP, D), jnp.float32),
        ],
    )(xp, Wcat, b2d)


def _dense2_body(o0_ref, pa_ref, pb_ref, wcat_ref, b_ref, hb_ref, out0_ref):
    h = jnp.maximum(o0_ref[...] + pa_ref[...] + pb_ref[...], 0.0)
    big = _dot(h, wcat_ref[...])
    hb_ref[...] = big.reshape(BM, R + 1, D)
    out0_ref[...] = big[:, R * D:] + b_ref[...]


@jax.jit
def _tc_dense2(o01, parts, Wcat, b2d):
    nb = NP // BM
    return pl.pallas_call(
        _dense2_body,
        grid=(nb,),
        in_specs=[
            pl.BlockSpec((BM, D), lambda i: (i, 0)),
            pl.BlockSpec((BM, D), lambda i: (i, 0)),
            pl.BlockSpec((BM, D), lambda i: (nb + i, 0)),
            pl.BlockSpec((D, (R + 1) * D), lambda i: (0, 0)),
            pl.BlockSpec((1, D), lambda i: (0, 0)),
        ],
        out_specs=[
            pl.BlockSpec((BM, R + 1, D), lambda i: (i, 0, 0)),
            pl.BlockSpec((BM, D), lambda i: (i, 0)),
        ],
        out_shape=[
            jax.ShapeDtypeStruct((NP, R + 1, D), jnp.float32),
            jax.ShapeDtypeStruct((NP, D), jnp.float32),
        ],
    )(o01, parts, parts, Wcat, b2d)


def _inv_body(c_ref, inv_ref):
    tot = jnp.sum(c_ref[...], axis=0)
    inv_ref[...] = 1.0 / jnp.maximum(tot, 1.0)


@jax.jit
def _tc_inv(cnts3):
    return pl.pallas_call(
        _inv_body,
        grid=(C8 // (8 * 128),),
        in_specs=[pl.BlockSpec((NW, 8, 128), lambda i: (0, i, 0))],
        out_specs=pl.BlockSpec((8, 128), lambda i: (i, 0)),
        out_shape=jax.ShapeDtypeStruct((C8 // 128, 128), jnp.float32),
    )(cnts3)


def _post_body(act, o0_ref, pa_ref, pb_ref, o_ref):
    t = o0_ref[...] + pa_ref[...] + pb_ref[...]
    if act == "relu":
        o_ref[...] = jnp.maximum(t, 0.0)
    else:
        m = jnp.max(t, axis=1, keepdims=True)
        e = jnp.exp(t - m)
        s = jnp.sum(e, axis=1, keepdims=True)
        o_ref[...] = t - m - jnp.log(s)


@functools.partial(jax.jit, static_argnums=0)
def _tc_post(act, o0, parts):
    nb = NP // BM
    return pl.pallas_call(
        functools.partial(_post_body, act),
        grid=(nb,),
        in_specs=[
            pl.BlockSpec((BM, D), lambda i: (i, 0)),
            pl.BlockSpec((BM, D), lambda i: (i, 0)),
            pl.BlockSpec((BM, D), lambda i: (nb + i, 0)),
        ],
        out_specs=pl.BlockSpec((BM, D), lambda i: (i, 0)),
        out_shape=jax.ShapeDtypeStruct((NP, D), jnp.float32),
    )(o0, parts, parts)


def kernel(x, edge_index, edge_type, W1, root1, b1, W2, root2, b2):
    src = edge_index[0].astype(jnp.int32)
    dst = edge_index[1].astype(jnp.int32)
    et = edge_type.astype(jnp.int32)

    k = jnp.arange(PAD, dtype=jnp.int32)
    srcp = jnp.concatenate([src, k % 64])
    dstp = jnp.concatenate([dst, N + (k % 16)])
    etp = jnp.concatenate([et, jnp.zeros((PAD,), jnp.int32)])
    dst2 = dstp.reshape(EP // EB, EB)

    xp = jnp.pad(x, ((0, NP - N), (0, 0)))

    cnts = _sc_counts(dstp, etp)
    inv2 = _tc_inv(cnts.reshape(NW, C8 // 128, 128)).reshape(C8)

    Wcat1 = jnp.concatenate([*[W1[r] for r in range(R)], root1], axis=1)
    Wcat2 = jnp.concatenate([*[W2[r] for r in range(R)], root2], axis=1)

    h1, o01 = _tc_dense(xp, Wcat1, b1.reshape(1, D))
    p1 = _sc_msg(h1.reshape((R + 1) * NP, D), srcp, dst2, etp, inv2)

    h2, o02 = _tc_dense2(o01, p1, Wcat2, b2.reshape(1, D))
    p2 = _sc_msg(h2.reshape((R + 1) * NP, D), srcp, dst2, etp, inv2)
    out = _tc_post("lsm", o02, p2)
    return out[:N]

# --- scband reference (transcript-rebuilt; emitter-appended) ---
"""Pipeline reference for scband-rgcn-46909632807734 (READ-ONLY COPY).

The authoritative reference and input builder live on the scoring server;
editing this copy changes nothing except your own understanding.
"""

import jax, jax.numpy as jnp
import numpy as np

N = 10000
E = 320000
R = 8
IN = 128
HID = 128
OUT = 128


def setup_inputs(seed: int = 0) -> dict:
    key = jax.random.key(seed)
    ks = jax.random.split(key, 10)
    x = jax.random.normal(ks[0], (N, IN), dtype=jnp.float32)
    edge_index = jax.random.randint(ks[1], (2, E), 0, N, dtype=jnp.int32)
    edge_type = jax.random.randint(ks[2], (E,), 0, R, dtype=jnp.int32)
    s1 = 1.0 / np.sqrt(IN)
    s2 = 1.0 / np.sqrt(HID)
    W1 = jax.random.normal(ks[3], (R, IN, HID), dtype=jnp.float32) * s1
    root1 = jax.random.normal(ks[4], (IN, HID), dtype=jnp.float32) * s1
    b1 = jnp.zeros((HID,), dtype=jnp.float32)
    W2 = jax.random.normal(ks[5], (R, HID, OUT), dtype=jnp.float32) * s2
    root2 = jax.random.normal(ks[6], (HID, OUT), dtype=jnp.float32) * s2
    b2 = jnp.zeros((OUT,), dtype=jnp.float32)
    return {"x": x, "edge_index": edge_index, "edge_type": edge_type,
            "W1": W1, "root1": root1, "b1": b1,
            "W2": W2, "root2": root2, "b2": b2}


def _rgcn_conv(x, edge_index, edge_type, W, root, b, num_relations):
    # Faithful to PyG RGCNConv (no basis decomposition, aggr='mean'):
    # out[i] = x[i] @ root + b + sum_r mean_{j in N_r(i)} (x[j] @ W[r])
    src = edge_index[0]
    dst = edge_index[1]
    out = x @ root + b
    for r in range(num_relations):
        h = x @ W[r]                      # node-level transform per relation (as in PyG)
        mask = (edge_type == r)
        msg = jnp.where(mask[:, None], h[src], 0.0)   # gather + relation mask
        summed = jax.ops.segment_sum(msg, dst, num_segments=x.shape[0])
        cnt = jax.ops.segment_sum(mask.astype(jnp.float32), dst, num_segments=x.shape[0])
        out = out + summed / jnp.maximum(cnt, 1.0)[:, None]
    return out


def reference(x, edge_index, edge_type, W1, root1, b1, W2, root2, b2):
    h = _rgcn_conv(x, edge_index, edge_type, W1, root1, b1, R)
    h = jax.nn.relu(h)
    o = _rgcn_conv(h, edge_index, edge_type, W2, root2, b2, R)
    return jax.nn.log_softmax(o, axis=1)

if __name__ == "__main__":
    import jax
    _d = setup_inputs()
    print(jax.jit(kernel)(*tuple(_d.values())))

</pallas_src>

<mosaic_0001>
#map = affine_map<(d0, d1) -> (0)>
#map1 = affine_map<(d0, d1) -> (0, 0)>
module attributes {stable_mosaic.version = 14 : i64} {
  func.func @_counts_body(%arg0: i32, %arg1: i32, %arg2: memref<327680xi32, #tpu.memory_space<hbm>>, %arg3: memref<327680xi32, #tpu.memory_space<hbm>>, %arg4: memref<32x80896xf32, #tpu.memory_space<hbm>>, %arg5: memref<80896xf32, #tpu.memory_space<vmem>>, %arg6: memref<1024xi32, #tpu.memory_space<vmem>>, %arg7: memref<1024xi32, #tpu.memory_space<vmem>>) attributes {dimension_semantics = [#tpu.dimension_semantics<core_parallel>, #tpu.dimension_semantics<subcore_parallel>], iteration_bounds = array<i64: 2, 16>, scalar_prefetch = 0 : i64, scratch_operands = 3 : i64, tpu.core_type = #tpu.core_type<sc_vector_subcore>, window_params = [{transform_indices = #map}, {transform_indices = #map}, {transform_indices = #map1}]} {
    %mul3A = arith.constant 16 : i32
    %mul3A_0 = arith.muli %arg0, %mul3A : i32
    %add3A = arith.addi %mul3A_0, %arg1 : i32
    %mul3A_1 = arith.constant 10240 : i32
    %mul3A_2 = arith.muli %add3A, %mul3A_1 : i32
    %broadcast_in_dim3A = arith.constant 0.000000e+00 : f32
    %broadcast_in_dim3A_3 = vector.broadcast %broadcast_in_dim3A : f32 to vector<16xf32>
    %scan3A = arith.constant 0 : i32
    %scan3A_4 = arith.constant 5056 : i32
    %scan3A_5 = arith.addi %scan3A, %scan3A_4 : i32
    %scan3A_6 = arith.constant 1 : i32
    scf.for %scan3A_15 = %scan3A to %scan3A_5 step %scan3A_6  : i32 {
      %mul3A_16 = arith.constant 1 : i32
      %mul3A_17 = arith.muli %scan3A_15, %mul3A_16 : i32
      %add3A_18 = arith.constant 0 : i32
      %add3A_19 = arith.addi %add3A_18, %mul3A_17 : i32
      %mul3A_20 = arith.constant 16 : i32
      %mul3A_21 = arith.muli %add3A_19, %mul3A_20 : i32
      %swap3A = arith.index_cast %mul3A_21 : i32 to index
      %swap3A_22 = tpu.vector_load %arg5[%swap3A] {strides = array<i32>} : memref<80896xf32, #tpu.memory_space<vmem>>, vector<16xf32>,
      tpu.vector_store %arg5[%swap3A], %broadcast_in_dim3A_3 {strides = array<i32>} : memref<80896xf32, #tpu.memory_space<vmem>>, vector<16xf32>,
    }
    %scan3A_7 = arith.constant 5056 : i32
    %broadcast_in_dim3A_8 = arith.constant 1.000000e+00 : f32
    %broadcast_in_dim3A_9 = vector.broadcast %broadcast_in_dim3A_8 : f32 to vector<16xf32>
    %scan3A_10 = arith.constant 0 : i32
    %scan3A_11 = arith.constant 10 : i32
    %scan3A_12 = arith.addi %scan3A_10, %scan3A_11 : i32
    %scan3A_13 = arith.constant 1 : i32
    scf.for %scan3A_15 = %scan3A_10 to %scan3A_12 step %scan3A_13  : i32 {
      %mul3A_16 = arith.constant 1 : i32
      %mul3A_17 = arith.muli %scan3A_15, %mul3A_16 : i32
      %add3A_18 = arith.constant 0 : i32
      %add3A_19 = arith.addi %add3A_18, %mul3A_17 : i32
      %mul3A_20 = arith.constant 1024 : i32
      %mul3A_21 = arith.muli %add3A_19, %mul3A_20 : i32
      %add3A_22 = arith.addi %mul3A_2, %mul3A_21 : i32
      "tpu.region"() ({
        %run_scoped3A = tpu.sem_alloc : memref<!tpu.dma_semaphore, #tpu.memory_space<semaphore_mem>>
        %dma_start3A = tpu.memref_slice %arg2[%add3A_22] : memref<327680xi32, #tpu.memory_space<hbm>> -> memref<1024xi32, #tpu.memory_space<hbm>>
        %dma_start3A_31 = tpu.memref_slice %arg2[%add3A_22] : memref<327680xi32, #tpu.memory_space<hbm>> -> memref<1024xi32, #tpu.memory_space<hbm>>
        tpu.enqueue_dma source(%dma_start3A_31 : memref<1024xi32, #tpu.memory_space<hbm>>) target(%arg6 : memref<1024xi32, #tpu.memory_space<vmem>>) target_semaphore(%run_scoped3A : memref<!tpu.dma_semaphore, #tpu.memory_space<semaphore_mem>>)
        %dma_wait3A = tpu.memref_slice %arg2[%add3A_22] : memref<327680xi32, #tpu.memory_space<hbm>> -> memref<1024xi32, #tpu.memory_space<hbm>>
        %dma_wait3A_32 = tpu.memref_slice %arg2[%add3A_22] : memref<327680xi32, #tpu.memory_space<hbm>> -> memref<1024xi32, #tpu.memory_space<hbm>>
        tpu.wait_dma2 semaphore(%run_scoped3A : memref<!tpu.dma_semaphore, #tpu.memory_space<semaphore_mem>>) src(%dma_wait3A_32 : memref<1024xi32, #tpu.memory_space<hbm>>) dst(%arg6 : memref<1024xi32, #tpu.memory_space<vmem>>)
        tpu.yield
      }) : () -> ()
      %mul3A_23 = arith.constant 1024 : i32
      %mul3A_24 = arith.muli %add3A_19, %mul3A_23 : i32
      %add3A_25 = arith.addi %mul3A_2, %mul3A_24 : i32
      "tpu.region"() ({
        %run_scoped3A = tpu.sem_alloc : memref<!tpu.dma_semaphore, #tpu.memory_space<semaphore_mem>>
        %dma_start3A = tpu.memref_slice %arg3[%add3A_25] : memref<327680xi32, #tpu.memory_space<hbm>> -> memref<1024xi32, #tpu.memory_space<hbm>>
        %dma_start3A_31 = tpu.memref_slice %arg3[%add3A_25] : memref<327680xi32, #tpu.memory_space<hbm>> -> memref<1024xi32, #tpu.memory_space<hbm>>
        tpu.enqueue_dma source(%dma_start3A_31 : memref<1024xi32, #tpu.memory_space<hbm>>) target(%arg7 : memref<1024xi32, #tpu.memory_space<vmem>>) target_semaphore(%run_scoped3A : memref<!tpu.dma_semaphore, #tpu.memory_space<semaphore_mem>>)
        %dma_wait3A = tpu.memref_slice %arg3[%add3A_25] : memref<327680xi32, #tpu.memory_space<hbm>> -> memref<1024xi32, #tpu.memory_space<hbm>>
        %dma_wait3A_32 = tpu.memref_slice %arg3[%add3A_25] : memref<327680xi32, #tpu.memory_space<hbm>> -> memref<1024xi32, #tpu.memory_space<hbm>>
        tpu.wait_dma2 semaphore(%run_scoped3A : memref<!tpu.dma_semaphore, #tpu.memory_space<semaphore_mem>>) src(%dma_wait3A_32 : memref<1024xi32, #tpu.memory_space<hbm>>) dst(%arg7 : memref<1024xi32, #tpu.memory_space<vmem>>)
        tpu.yield
      }) : () -> ()
      %scan3A_26 = arith.constant 0 : i32
      %scan3A_27 = arith.constant 64 : i32
      %scan3A_28 = arith.addi %scan3A_26, %scan3A_27 : i32
      %scan3A_29 = arith.constant 1 : i32
      scf.for %scan3A_31 = %scan3A_26 to %scan3A_28 step %scan3A_29  : i32 {
        %mul3A_32 = arith.constant 1 : i32
        %mul3A_33 = arith.muli %scan3A_31, %mul3A_32 : i32
        %add3A_34 = arith.constant 0 : i32
        %add3A_35 = arith.addi %add3A_34, %mul3A_33 : i32
        %mul3A_36 = arith.constant 16 : i32
        %mul3A_37 = arith.muli %add3A_35, %mul3A_36 : i32
        %get3A = arith.index_cast %mul3A_37 : i32 to index
        %get3A_38 = tpu.vector_load %arg6[%get3A] {strides = array<i32>} : memref<1024xi32, #tpu.memory_space<vmem>>, vector<16xi32>,
        %mul3A_39 = arith.constant 16 : i32
        %mul3A_40 = arith.muli %add3A_35, %mul3A_39 : i32
        %get3A_41 = arith.index_cast %mul3A_40 : i32 to index
        %get3A_42 = tpu.vector_load %arg7[%get3A_41] {strides = array<i32>} : memref<1024xi32, #tpu.memory_space<vmem>>, vector<16xi32>,
        %mul3A_43 = arith.constant 8 : i32
        %mul3A_44 = vector.broadcast %mul3A_43 : i32 to vector<16xi32>
        %mul3A_45 = arith.muli %get3A_38, %mul3A_44 : vector<16xi32>
        %add3A_46 = arith.addi %mul3A_45, %get3A_42 : vector<16xi32>
        tpu.vector_store_idx %arg5[%add3A_46], %broadcast_in_dim3A_9 {add = true} : memref<80896xf32, #tpu.memory_space<vmem>>[vector<16xi32>], vector<16xf32>,
      }
      %scan3A_30 = arith.constant 64 : i32
    }
    %scan3A_14 = arith.constant 10 : i32
    "tpu.region"() ({
      %run_scoped3A = tpu.sem_alloc : memref<!tpu.dma_semaphore, #tpu.memory_space<semaphore_mem>>
      %dma_start3A = arith.constant 0 : i32
      %dma_start3A_15 = tpu.memref_slice %arg4[%add3A, %dma_start3A] : memref<32x80896xf32, #tpu.memory_space<hbm>> -> memref<1x80896xf32, #tpu.memory_space<hbm>>
      %dma_start3A_16 = tpu.memref_squeeze %dma_start3A_15 : memref<1x80896xf32, #tpu.memory_space<hbm>> -> memref<80896xf32, #tpu.memory_space<hbm>>
      %dma_start3A_17 = arith.constant 0 : i32
      %dma_start3A_18 = tpu.memref_slice %arg4[%add3A, %dma_start3A_17] : memref<32x80896xf32, #tpu.memory_space<hbm>> -> memref<1x80896xf32, #tpu.memory_space<hbm>>
      %dma_start3A_19 = tpu.memref_squeeze %dma_start3A_18 : memref<1x80896xf32, #tpu.memory_space<hbm>> -> memref<80896xf32, #tpu.memory_space<hbm>>
      tpu.enqueue_dma source(%arg5 : memref<80896xf32, #tpu.memory_space<vmem>>) target(%dma_start3A_19 : memref<80896xf32, #tpu.memory_space<hbm>>) target_semaphore(%run_scoped3A : memref<!tpu.dma_semaphore, #tpu.memory_space<semaphore_mem>>)
      %dma_wait3A = arith.constant 0 : i32
      %dma_wait3A_20 = tpu.memref_slice %arg4[%add3A, %dma_wait3A] : memref<32x80896xf32, #tpu.memory_space<hbm>> -> memref<1x80896xf32, #tpu.memory_space<hbm>>
      %dma_wait3A_21 = tpu.memref_squeeze %dma_wait3A_20 : memref<1x80896xf32, #tpu.memory_space<hbm>> -> memref<80896xf32, #tpu.memory_space<hbm>>
      %dma_wait3A_22 = arith.constant 0 : i32
      %dma_wait3A_23 = tpu.memref_slice %arg4[%add3A, %dma_wait3A_22] : memref<32x80896xf32, #tpu.memory_space<hbm>> -> memref<1x80896xf32, #tpu.memory_space<hbm>>
      %dma_wait3A_24 = tpu.memref_squeeze %dma_wait3A_23 : memref<1x80896xf32, #tpu.memory_space<hbm>> -> memref<80896xf32, #tpu.memory_space<hbm>>
      tpu.wait_dma2 semaphore(%run_scoped3A : memref<!tpu.dma_semaphore, #tpu.memory_space<semaphore_mem>>) src(%arg5 : memref<80896xf32, #tpu.memory_space<vmem>>) dst(%dma_wait3A_24 : memref<80896xf32, #tpu.memory_space<hbm>>)
      tpu.yield
    }) : () -> ()
    return
  }
}

</mosaic_0001>

<sc_bundles>
// kernel: _sc_counts.3.cloned.1.call-start
scs
__scs_entry_jumppad:
0x0: {  	(pc) =	sbr.rel $0x88, $3  }
0x1: {  	(tag) =	ssettag $0x0;
	lr =	simm.s32 $0x1  }
0x2: {  	[smem:$0x3F9F] =	sst lr;
	_ =	strace $0xD0000000  }
0x3: {  	_ = 	snop  }
0x4: {  	_ = 	snop  }
0x5: {  	_ = 	snop  }
0x6: {  	_ = 	snop  }
0x7: {  	_ = 	snop  }
__scs_overlays_trampoline_lowered:
0x8: {  	[smem:$0x3FAE] =	sst s0  }
0x9: {  	[smem:$0x3FAF] =	sst s1  }
0xa: {  	[smem:$0x3FB0] =	sst s2  }
0xb: {  	[smem:$0x3FB1] =	sst s3  }
0xc: {  	[smem:$0x3FB2] =	sst s4  }
0xd: {  	[smem:$0x3FB3] =	sst s5  }
0xe: {  	[smem:$0x3FB4] =	sst s6  }
0xf: {  	[smem:$0x3FB5] =	sst s7  }
0x10: {  	[smem:$0x3FB6] =	sst s8  }
0x11: {  	[smem:$0x3FB7] =	sst s9;
	s0 =	simm.s32 @!p0 $0x0  }
0x12: {  	s1 =	sld [smem:$0x3F9D];
	s0 =	simm.s32 @p0 $0x1  }
0x13: {  	[smem:$0x3FB8] =	sst s0;
	s0 =	simm.s32 @!p1 $0x0  }
0x14: {  	s2 =	sld [smem:$0x3F9C];
	s0 =	simm.s32 @p1 $0x1  }
0x15: {  	[smem:$0x3FB9] =	sst s0;
	s0 =	simm.s32 @!p2 $0x0  }
0x16: {  	s3 =	sld [smem:$0x3FDB];
	s0 =	simm.s32 @p2 $0x1  }
0x17: {  	s4 =	simm.s32 $0x1BF5;
	[smem:$0x3FBB] =	sst s0  }
0x18: {  	s0 =	sld [smem:$0x3F9E];
	_ =	swait.ge [sflag:s4], $0x0  }
0x19: {  	s7 =	sld [smem:$0x3F9F]  }
0x1a: {  	s8 =	sadd.s32 $0xFFFFE003, lr  }
0x1b: {  	s9 =	sadd.s32 $0xFFFFFEF7, lr;
	s5 =	simm.s32 $0xFFFFFFFF;
	p2 =	slt.u32 s8, $0xFFFFF086  }
0x1c: {  	p1 =	slt.u32 s9, $0xF7A;
	s5 =	simm.s32 @!p2 $0x0  }
0x1d: {  	s5 =	simm.s32 @p1 $0x1;
	p0 =	seq.s32 s7, s2  }
0x1e: {  	s7 =	smul.u32 @!p0 $0xF7A, s2;
	p2 =	seq.s32 @!p0 s5, $0x0  }
0x1f: {  	s9 =	smul.u32 $0xF7A, s1;
	s8 =	simm.s32 @!p0 $0x1BF5;
	p2 =	por !p2, p0  }
0x20: {  	[sflag:s8] =	ssyncset.s32 @!p0 $0xFFFFF086;
	s6 =	sadd.s32 @!p0 s3, s7;
	s7 =	simm.s32 @!p0 $0x108  }
0x21: {  	s3 =	sadd.s32 s3, s9;
	s6 =	sadd.s32 @!p0 $0x88, s6;
	s7 =	simm.s32 @p2 $0x1082  }
0x22: {  	[simem:s7], [sflag:s8] =	dma.local @!p0 [hbm:s6], $0xF7A  }
0x23: {  	s9 =	sor.u32 $0xD0000000, s2;
	s6 =	simm.s32 $0x108;
	_ =	swait.ge @!p0 [sflag:s8], $0x0  }
0x24: {  	s3 =	sadd.s32 $0x88, s3;
	s6 =	simm.s32 @!p1 $0x1082;
	[sflag:s4] =	ssyncset.s32 $0xFFFFF086  }
0x25: {  	[simem:s6], [sflag:s4] =	dma.local [hbm:s3], $0xF7A  }
0x26: {  	[smem:$0x3F9F] =	sst s1;
	(tag) =	ssettag s2;
	_ =	strace s9  }
0x27: {  	s1 =	sld [smem:$0x3FAF]  }
0x28: {  	s2 =	sld [smem:$0x3FB0]  }
0x29: {  	s4 =	sld [smem:$0x3FB2]  }
0x2a: {  	p0 =	seq.s32 s5, $0x0;
	s5 =	sld [smem:$0x3FB3]  }
0x2b: {  	s6 =	sld [smem:$0x3FB4]  }
0x2c: {  	s7 =	sld [smem:$0x3FB5]  }
0x2d: {  	s3 =	simm.s32 $0x108;
	s8 =	sld [smem:$0x3FB6]  }
0x2e: {  	s3 =	simm.s32 @!p0 $0x1082;
	s9 =	sld [smem:$0x3FB7]  }
0x2f: {  	lr =	sadd.s32 s0, s3;
	s0 =	sld [smem:$0x3FAE]  }
0x30: {  	s3 =	sld [smem:$0x3FB1]  }
0x31: {  	[smem:$0x3FBA] =	sst s10  }
0x32: {  	s10 =	sld [smem:$0x3FB8];
	_ =	sdelay $0x3  }
0x33: {  	p0 =	seq.s32 s10, $0x1;
	s10 =	sld [smem:$0x3FBA];
	_ =	sdelay $0x3  }
0x34: {  	[smem:$0x3FBA] =	sst s10  }
0x35: {  	s10 =	sld [smem:$0x3FB9];
	_ =	sdelay $0x3  }
0x36: {  	p1 =	seq.s32 s10, $0x1;
	s10 =	sld [smem:$0x3FBA];
	_ =	sdelay $0x3  }
0x37: {  	[smem:$0x3FBA] =	sst s10  }
0x38: {  	s10 =	sld [smem:$0x3FBB]  }
0x39: {  	_ = 	snop;
	(pc) =	sbr.ind lr, $3  }
0x3a: {  	_ = 	snop  }
0x3b: {  	_ = 	snop  }
0x3c: {  	p2 =	seq.s32 s10, $0x1;
	s10 =	sld [smem:$0x3FBA]  }
0x3d: {  	_ =	shalt  }
0x3e: {  	_ =	shalt  }
0x3f: {  	_ =	shalt  }
0x40: {  	_ =	shalt  }
0x41: {  	_ =	shalt  }
0x42: {  	_ =	shalt  }
0x43: {  	_ =	shalt  }
0x44: {  	_ =	shalt  }
0x45: {  	_ =	shalt  }
0x46: {  	_ =	shalt  }
0x47: {  	_ =	shalt  }
0x48: {  	_ =	shalt  }
0x49: {  	_ =	shalt  }
0x4a: {  	_ =	shalt  }
0x4b: {  	_ =	shalt  }
0x4c: {  	_ =	shalt  }
0x4d: {  	_ =	shalt  }
0x4e: {  	_ =	shalt  }
0x4f: {  	_ =	shalt  }
0x50: {  	_ =	shalt  }
0x51: {  	_ =	shalt  }
0x52: {  	_ =	shalt  }
0x53: {  	_ =	shalt  }
0x54: {  	_ =	shalt  }
0x55: {  	_ =	shalt  }
0x56: {  	_ =	shalt  }
0x57: {  	_ =	shalt  }
0x58: {  	_ =	shalt  }
0x59: {  	_ =	shalt  }
0x5a: {  	_ =	shalt  }
0x5b: {  	_ =	shalt  }
0x5c: {  	_ =	shalt  }
0x5d: {  	_ =	shalt  }
0x5e: {  	_ =	shalt  }
0x5f: {  	_ =	shalt  }
0x60: {  	_ =	shalt  }
0x61: {  	_ =	shalt  }
0x62: {  	_ =	shalt  }
0x63: {  	_ =	shalt  }
0x64: {  	_ =	shalt  }
0x65: {  	_ =	shalt  }
0x66: {  	_ =	shalt  }
0x67: {  	_ =	shalt  }
0x68: {  	_ =	shalt  }
0x69: {  	_ =	shalt  }
0x6a: {  	_ =	shalt  }
0x6b: {  	_ =	shalt  }
0x6c: {  	_ =	shalt  }
0x6d: {  	_ =	shalt  }
0x6e: {  	_ =	shalt  }
0x6f: {  	_ =	shalt  }
0x70: {  	_ =	shalt  }
0x71: {  	_ =	shalt  }
0x72: {  	_ =	shalt  }
0x73: {  	_ =	shalt  }
0x74: {  	_ =	shalt  }
0x75: {  	_ =	shalt  }
0x76: {  	_ =	shalt  }
0x77: {  	_ =	shalt  }
0x78: {  	_ =	shalt  }
0x79: {  	_ =	shalt  }
0x7a: {  	_ =	shalt  }
0x7b: {  	_ =	shalt  }
0x7c: {  	_ =	shalt  }
0x7d: {  	_ =	shalt  }
0x7e: {  	_ =	shalt  }
0x7f: {  	_ =	shalt  }
0x80: {  	_ =	shalt  }
0x81: {  	_ =	shalt  }
0x82: {  	_ =	shalt  }
0x83: {  	_ =	shalt  }
0x84: {  	_ =	shalt  }
0x85: {  	_ =	shalt  }
0x86: {  	_ =	shalt  }
0x87: {  	_ =	shalt  }
.Lfunc_end0:
.L_simem_size_0:
called_computation_lowered:
.L_overlay_start_0:
0x88: {  	s2 =	sld [smem:$0x3FD9]  }
0x89: {  	s3 =	sld [smem:$0x3FFE];
	_ =	sdelay $0x1  }
0x8a: {  	s1 =	srdreg.scid  }
0x8b: {  	s0 =	sand.u32 $0x1, s1  }
0x8c: {  	s18 =	sshll.u32 s0, $0xA;
	s2 =	sadd.s32 s3, s2  }
0x8d: {  	s2 =	sadd.s32 s2, s18  }
0x8e: {  	[smem:$0x3FC6] =	sst s2  }
0x8f: {  	_ = 	snop  }
0x90: {  	s2 =	sld [smem:$0x3FC9]  }
0x91: {  	s19 =	sld [smem:$0x3FC8]  }
0x92: {  	s4 =	sld [smem:$0x3FD0];
	(tm) =	ssettm $0x1  }
0x93: {  	s5 =	sld [smem:$0x3FFB];
	_ =	sdelay $0x3  }
0x94: {  	_ =	strace s5  }
0x95: {  	s5 =	sld [smem:$0x3FFC];
	_ =	sdelay $0x3  }
0x96: {  	_ =	strace s5  }
0x97: {  	s5 =	sld [smem:$0x3FFD];
	_ =	sdelay $0x3  }
0x98: {  	_ =	strace s5  }
0x99: {  	_ =	strace $0x8FFFFFFF  }
0x9a: {  	s20 =	sld [smem:$0x3FDB];
	_ =	sdelay $0x1  }
0x9b: {  	s6 =	simm.s32 $_scs_section_size  }
0x9c: {  	s7 =	simm.s32 $_size__tile_overlayer_lowered;
	s8 =	simm.s32 $_tile_overlayer_lowered  }
0x9d: {  	s23 =	simm.s32 $0x1BFF;
	s22 =	sshll.u32 s8, $0x1;
	s5 =	sadd.s32 s6, s20  }
0x9e: {  	s9 =	simm.s32 $0x0;
	s21 =	sshll.u32 s7, $0x1;
	s7 =	sadd.s32 s22, s5  }
0x9f: {  	[timem:s9], [sflag:s23] =	dma.local [hbm:s7], s21  }
0xa0: {  	_ =	swait.ge [sflag:s23], s21  }
0xa1: {  	s6 =	ssub.s32 $0x0, s21;
	[sflag:s23] =	ssyncset.done $0x0  }
0xa2: {  	[sflag:s23] =	ssyncadd.s32 s6;
	_ =	sdelay $0x1  }
0xa3: {  	s24 =	simm.s32 $0x1B8B  }
0xa4: {  	_ =	swait.ge [sflag:s24], $0x1  }
0xa5: {  	[sflag:s24] =	ssyncset.done $0x0  }
0xa6: {  	s25 =	simm.s32 $0x1B8E;
	[sflag:s24] =	ssyncadd.s32 $0xFFFFFFFF  }
0xa7: {  	s26 =	simm.s32 $execute0_lowered;
	[smem:$0x3FD2] =	sst s25  }
0xa8: {  	s6 =	sshll.u32 s26, $0x1;
	_ =	strace $0x80000046;
	[dreg:$0x1] =	wrdreg $0xFFFFFFFF  }
0xa9: {  	s28 =	simm.s32 $_size_execute0_lowered;
	s5 =	sadd.s32 s5, s6;
	[dreg:$0x0] =	wrdreg $0x0  }
0xaa: {  	s6 =	sshll.u32 s28, $0x1;
	[dreg:$0x2] =	wrdreg s5  }
0xab: {  	[dreg:$0x3] =	wrdreg s6  }
0xac: {  	[dreg:$0x4] =	wrdreg $0xC0  }
0xad: {  	_ =	task [dreg:s9], $0x5FFFF  }
0xae: {  	[dreg:$0x1] =	wrdreg $0xFFFFFFFF  }
0xaf: {  	[dreg:$0x0] =	wrdreg $0x60  }
0xb0: {  	[dreg:$0x2] =	wrdreg s2  }
0xb1: {  	[dreg:$0x3] =	wrdreg s19  }
0xb2: {  	[dreg:$0x4] =	wrdreg s4  }
0xb3: {  	[dreg:$0x5] =	wrdreg $0x9  }
0xb4: {  	_ =	task.clear_ibuf [dreg:s9], $0x6FFFF;
	_ =	strace $0x90000046  }
0xb5: {  	s29 =	simm.s32 $0x9;
	_ =	strace $0x80000048  }
0xb6: {  	_ =	swait.ge [sflag:s29], $0x1  }
0xb7: {  	[sflag:s29] =	ssyncadd.s32 $0xFFFFFFFF  }
0xb8: {  	_ =	strace $0x90000048  }
0xb9: {  	_ =	sfence  }
0xba: {  	s30 =	sld [smem:$0x0];
	_ =	sdelay $0x2  }
0xbb: {  	s31 =	sshll.u32 s1, $0xD;
	s1 =	sshrl.u32 s1, $0x2  }
0xbc: {  	s3 =	sand.u32 $0x4000, s31;
	s1 =	sadd.s32 s1, s30  }
0xbd: {  	s0 =	sor.u32 s3, s0;
	s1 =	sshll.u32 s1, $0x11  }
0xbe: {  	s0 =	sor.u32 s1, s0  }
0xbf: {  	s0 =	sadd.s32 $0x8F2B, s0  }
0xc0: {  	[sflag:s0] =	ssyncadd.remote.s32 $0x1  }
0xc1: {  	_ =	sfence.sel $0xFFFF  }
0xc2: {  	[dreg:$0x0] =	wrdreg $0xFFFFFFFF;
	(pc) =	sbr.abs _section_cstart, $3  }
0xc3: {  	[dreg:$0x1] =	wrdreg $0xFFFFFFFF  }
0xc4: {  	_ =	task.clear_ibuf [dreg:s9], $0x2FFFF;
	_ =	strace $0x9FFFFFFF  }
0xc5: {  	(tm) =	ssettm $0x7FFFFFFF  }
tec
execute0_lowered:
.L_overlay_start_1:
0x0: {  	(tag) =	ssettag $0x1  }
0x1: {  	s1 =	rddreg [dreg:$0x0]  }
0x2: {  	s0 =	srdreg.scid;
	s3 =	rddreg [dreg:$0x1]  }
0x3: {  	s7 =	rddreg [dreg:$0x2];
	s11 =	simm.s32 $0x80;
	s5 =	sand.u32 $0x1, s0  }
0x4: {  	s12 =	simm.s32 $0x400;
	s0 =	stileid.u32;
	s2 =	sshll.u32 s5, $0x4  }
0x5: {  	s13 =	simm.s32 $0x0;
	s9 =	sshll.u32 s0, $0x7;
	s6 =	sor.u32 s0, s2  }
0x6: {  	s5 =	ssub.s32 $0x2, s5;
	s2 =	rddreg [dreg:$0x3];
	s4 =	sshrl.u32 s6, $0x3  }
0x7: {  	s9 =	sand.u32 $0x380, s9;
	s10 =	sshrl.u32 s5, $0x1;
	s8 =	smul.u32 $0x9E000, s4  }
0x8: {  	s31 =	ssub.s32 s5, s10;
	s5 =	smul.u32 $0x2800, s6;
	s4 =	simm.s32 $0x0  }
0x9: {  	s10 =	simm.s32 $0x14000;
	[smem:$0x7FF] =	sst s4;
	s8 =	sor.u32 s9, s8  }
0xa: {  	_ =	strace $0x80000047;
	s9 =	simm.s32 $0x1;
	s8 =	sshrl.u32 s8, $0x3  }
0xb: {  	v0 =	vimm.f32 $0.0e+00;
	v1 =	vimm.f32 $1.000000000e+00;
	s6 =	sadd.s32 s7, s8;
	s7 =	smax.u32 s31, $0x1;
	s8 =	simm.s32 $0x13C00  }
.LBB2_1:
0xc: {  	s14 =	simm.s32 $0x40;
	s15 =	simm.s32 $0x0  }
.LBB2_2:
0xd: {  	p0 =	sne.s32 s14, $0x4EFC0;
	[tilespmem:s15+$0x0] =	vst v0;
	s15 =	smov.u32 s14;
	s14 =	sadd.s32 $0x40, s14  }
.Ltmp0:
0xe: {  	(pc) =	sbr.rel @p0 .LBB2_2-.Ltmp0, $2  }
0xf: {  	_ =	sdelay $0x2  }
0x10: {  	s15 =	sshra.s32 s15, $0x2  }
0x11: {  	[tilespmem:s15+$0x0] =	vst v0;
	s14 =	simm.s32 $0x0;
	s15 =	simm.s32 $0x0  }
.LBB2_4:
0x12: {  	s16 =	sshll.u32 s15, $0xA  }
0x13: {  	s16 =	sadd.s32 s5, s16  }
0x14: {  	s16 =	sshrl.u32 s16, $0x3  }
0x15: {  	s17 =	sadd.s32 s1, s16  }
0x16: {  	[tilespmem:s8], [sflag:$0x1] =	stream.linear.gather [hbm4b:s17+s14], $0x400, $0x38;
	[tilespmem:$0x14400] =	vst v63  }
0x17: {  	_ =	swait.ge [sflag:s9], $0x400  }
0x18: {  	[sflag:s9] =	ssyncset.done $0x0  }
0x19: {  	s16 =	sadd.s32 s3, s16;
	[sflag:s9] =	ssyncadd.s32 $0xFFFFFC00  }
0x1a: {  	[tilespmem:s10], [sflag:$0x1] =	stream.linear.gather [hbm4b:s16+s14], $0x400, $0x38;
	[tilespmem:$0x14400] =	vst v63  }
0x1b: {  	_ =	swait.ge [sflag:s9], $0x400  }
0x1c: {  	[sflag:s9] =	ssyncset.done $0x0  }
0x1d: {  	s17 =	simm.s32 $0x0;
	s16 =	simm.s32 $0x40;
	[sflag:s9] =	ssyncadd.s32 $0xFFFFFC00  }
.LBB2_5:
0x1e: {  	p0 =	sne.s32 s16, $0xFC0;
	v2 =	vld [tilespmem:s17+$0x13C00]  }
0x1f: {  	v3 =	vld [tilespmem:s17+$0x14000];
	_ =	sdelay $0x3  }
0x20: {  	v2 =	vshll.u32 v2, $0x3  }
0x21: {  	v2 =	vadd.s32 v3, v2  }
.Ltmp1:
0x22: {  	(pc) =	sbr.rel @p0 .LBB2_5-.Ltmp1, $2  }
0x23: {  	_ =	sdelay $0x2  }
0x24: {  	s17 =	sshra.s32 s16, $0x2;
	s16 =	sadd.s32 $0x40, s16;
	[tilespmem:v2+s4+$0x0] =	vst.idx.add.f32.msk $0xffff, v1  }
0x25: {  	v2 =	vld [tilespmem:s17+$0x13C00]  }
0x26: {  	v3 =	vld [tilespmem:s17+$0x14000];
	_ =	sdelay $0x3  }
0x27: {  	s15 =	sadd.s32 $0x1, s15;
	v2 =	vshll.u32 v2, $0x3  }
0x28: {  	p0 =	sne.s32 s15, $0xA;
	v2 =	vadd.s32 v3, v2  }
.Ltmp2:
0x29: {  	_ = 	snop;
	(pc) =	sbr.rel @p0 .LBB2_4-.Ltmp2, $2  }
0x2a: {  	_ =	sdelay $0x2  }
0x2b: {  	[tilespmem:v2+s4+$0x0] =	vst.idx.add.f32.msk $0xffff, v1  }
0x2c: {  	s13 =	sadd.s32 $0x1, s13  }
0x2d: {  	p0 =	sne.s32 s13, s7  }
.Ltmp3:
0x2e: {  	_ = 	snop;
	(pc) =	sbr.rel @p0 .LBB2_1-.Ltmp3, $4  }
0x2f: {  	[hbm4b:s6+s11] =	stream.strided.scatter [tilespmem:s4], [sflag:$0x1], $0x13C00, s12, s11, $0x38;
	[tilespmem:$0x14400] =	vst v63  }
0x30: {  	_ =	swait.ge [sflag:s9], $0x13C00  }
0x31: {  	[sflag:s9] =	ssyncset.done $0x0  }
0x32: {  	[sflag:s9] =	ssyncadd.s32 $0xFFFEC400  }
0x33: {  	_ =	sfence.sel $0x180000  }
0x34: {  	[bflag:$0x0] =	sbarrier.arrive $0xFFFF  }
0x35: {  	p0 =	sne.s32 s0, $0x0;
	_ =	strace $0x90000047  }
0x36: {  	s0 =	sadd.s32 @!p0 $0x100000, s2;
	[bflag:$0x2] =	sbarrier.arrive $0xFFFF  }
0x37: {  	[sflag:s0] =	ssyncadd.tile.s32 @!p0 $0x1;
	_ =	shalt  }
.Lfunc_end2:
_tile_overlayer_lowered:
.L_overlay_start_2:
0x38: {  	(tag) =	ssettag $0x2  }
0x39: {  	s0 =	rddreg [dreg:$0x0];
	s2 =	stileid.u32  }
0x3a: {  	s1 =	rddreg [dreg:$0x1];
	p0 =	sne.s32 s2, $0x0  }
0x3b: {  	s3 =	rddreg [dreg:$0x2];
	[bflag:$0x3] =	sbarrier.arrive $0xFFFF;
	s2 =	simm.s32 @!p0 $0x1C01  }
0x3c: {  	[timem:s3], [sflag:s2] =	dma.local @!p0 [hbm:s0], s1  }
0x3d: {  	s0 =	simm.s32 @!p0 $0x1  }
0x3e: {  	_ =	swait.ge @!p0 [sflag:s0], s1  }
0x3f: {  	s1 =	ssub.s32 @!p0 $0x0, s1;
	[sflag:s0] =	ssyncset.done @!p0 $0x0  }
0x40: {  	[sflag:s0] =	ssyncadd.s32 @!p0 s1  }
0x41: {  	[bflag:$0x3] =	sbarrier.arrive $0xFFFF  }
0x42: {  	_ =	shalt  }

</sc_bundles>
